<compile_context>
chip_gen: v7x
topology: tpu7x:2x2x1
jax: 0.10.2.dev20260603
libtpu: 0.0.44.dev20260713+nightly
codegen_flags: <defaults>
</compile_context>

<pallas_src>
import functools

import jax
import jax.numpy as jnp
from jax import lax
from jax.experimental import pallas as pl
from jax.experimental.pallas import tpu as pltpu
from jax.experimental.pallas import tpu_sc as plsc

NUM_SAMPLES = 1000000
BATCH = 16384

_INFO = plsc.get_sparse_core_info()
_NC, _NS, _L = _INFO.num_cores, _INFO.num_subcores, _INFO.num_lanes
_NW = _NC * _NS
_BPW = BATCH // _NW
_CHUNK = 128
_NCHUNK = _BPW // _CHUNK
_UNROLL = 4

_mesh = plsc.VectorSubcoreMesh(core_axis_name="c", subcore_axis_name="s")


@functools.partial(
    pl.kernel,
    mesh=_mesh,
    out_type=jax.ShapeDtypeStruct((BATCH,), jnp.float32),
    scratch_types=[
        pltpu.VMEM((_BPW,), jnp.int32),
        pltpu.VMEM((_BPW,), jnp.float32),
    ] + [pltpu.SemaphoreType.DMA],
)
def _gather_tanh(table_hbm, idx_hbm, out_hbm, idx_v, vals_v, *sems):
    wid = lax.axis_index("s") * _NC + lax.axis_index("c")
    base = wid * _BPW
    pltpu.sync_copy(idx_hbm.at[pl.ds(base, _BPW)], idx_v)
    pltpu.async_copy(table_hbm.at[idx_v], vals_v, sems[0]).wait()

    def _tanh_step(i, _):
        for u in range(_UNROLL):
            sl = pl.ds((i * _UNROLL + u) * _L, _L)
            x = vals_v[sl]
            vals_v[sl] = 1.0 - 2.0 / (jnp.exp(x * 2.0) + 1.0)
        return _

    lax.fori_loop(0, _BPW // (_L * _UNROLL), _tanh_step, 0)
    pltpu.sync_copy(vals_v, out_hbm.at[pl.ds(base, _BPW)])


def kernel(sample_indices, sample_logits):
    return _gather_tanh(sample_logits, sample_indices)

# --- scband reference (transcript-rebuilt; emitter-appended) ---
"""Pipeline reference for scband-weighting-model-2757369004198 (READ-ONLY COPY).

The authoritative reference and input builder live on the scoring server;
editing this copy changes nothing except your own understanding.
"""

import jax, jax.numpy as jnp
import numpy as np

NUM_SAMPLES = 1000000
BATCH = 16384

def setup_inputs(seed: int = 0) -> dict:
    key = jax.random.key(seed)
    k1, k2 = jax.random.split(key)
    sample_indices = jax.random.randint(k1, (BATCH,), 0, NUM_SAMPLES, dtype=jnp.int64 if jax.config.jax_enable_x64 else jnp.int32)
    sample_logits = jnp.ones((NUM_SAMPLES,), dtype=jnp.float32)
    return {"sample_indices": sample_indices, "sample_logits": sample_logits}

def reference(sample_indices, sample_logits):
    # Faithful translation: tanh over the full logits table, then gather.
    all_weights = jnp.tanh(sample_logits)
    return jnp.take(all_weights, sample_indices, axis=0)

if __name__ == "__main__":
    import jax
    _d = setup_inputs()
    print(jax.jit(kernel)(*tuple(_d.values())))

</pallas_src>

<mosaic_0001>
#map = affine_map<(d0, d1) -> (0)>
module attributes {stable_mosaic.version = 14 : i64} {
  func.func @_gather_tanh(%arg0: i32, %arg1: i32, %arg2: memref<1000000xf32, #tpu.memory_space<hbm>>, %arg3: memref<16384xi32, #tpu.memory_space<hbm>>, %arg4: memref<16384xf32, #tpu.memory_space<hbm>>, %arg5: memref<512xi32, #tpu.memory_space<vmem>>, %arg6: memref<512xf32, #tpu.memory_space<vmem>>, %arg7: memref<!tpu.dma_semaphore, #tpu.memory_space<semaphore_mem>>) attributes {dimension_semantics = [#tpu.dimension_semantics<core_parallel>, #tpu.dimension_semantics<subcore_parallel>], iteration_bounds = array<i64: 2, 16>, scalar_prefetch = 0 : i64, scratch_operands = 3 : i64, tpu.core_type = #tpu.core_type<sc_vector_subcore>, window_params = [{transform_indices = #map}, {transform_indices = #map}, {transform_indices = #map}]} {
    %mul3A = arith.constant 2 : i32
    %mul3A_0 = arith.muli %arg1, %mul3A : i32
    %add3A = arith.addi %mul3A_0, %arg0 : i32
    %mul3A_1 = arith.constant 512 : i32
    %mul3A_2 = arith.muli %add3A, %mul3A_1 : i32
    "tpu.region"() ({
      %run_scoped3A = tpu.sem_alloc : memref<!tpu.dma_semaphore, #tpu.memory_space<semaphore_mem>>
      %dma_start3A_10 = tpu.memref_slice %arg3[%mul3A_2] : memref<16384xi32, #tpu.memory_space<hbm>> -> memref<512xi32, #tpu.memory_space<hbm>>
      %dma_start3A_11 = tpu.memref_slice %arg3[%mul3A_2] : memref<16384xi32, #tpu.memory_space<hbm>> -> memref<512xi32, #tpu.memory_space<hbm>>
      tpu.enqueue_dma source(%dma_start3A_11 : memref<512xi32, #tpu.memory_space<hbm>>) target(%arg5 : memref<512xi32, #tpu.memory_space<vmem>>) target_semaphore(%run_scoped3A : memref<!tpu.dma_semaphore, #tpu.memory_space<semaphore_mem>>)
      %dma_wait3A_12 = tpu.memref_slice %arg3[%mul3A_2] : memref<16384xi32, #tpu.memory_space<hbm>> -> memref<512xi32, #tpu.memory_space<hbm>>
      %dma_wait3A_13 = tpu.memref_slice %arg3[%mul3A_2] : memref<16384xi32, #tpu.memory_space<hbm>> -> memref<512xi32, #tpu.memory_space<hbm>>
      tpu.wait_dma2 semaphore(%run_scoped3A : memref<!tpu.dma_semaphore, #tpu.memory_space<semaphore_mem>>) src(%dma_wait3A_13 : memref<512xi32, #tpu.memory_space<hbm>>) dst(%arg5 : memref<512xi32, #tpu.memory_space<vmem>>)
      tpu.yield
    }) : () -> ()
    %dma_start3A = arith.constant 0 : i32
    %dma_start3A_3 = tpu.memref_slice %arg2[%dma_start3A] : memref<1000000xf32, #tpu.memory_space<hbm>> -> memref<1000000xf32, #tpu.memory_space<hbm>>
    tpu.enqueue_indirect_dma source(%dma_start3A_3 : memref<1000000xf32, #tpu.memory_space<hbm>>) target(%arg6 : memref<512xf32, #tpu.memory_space<vmem>>) offsets(%arg5 : memref<512xi32, #tpu.memory_space<vmem>>) semaphore(%arg7 : memref<!tpu.dma_semaphore, #tpu.memory_space<semaphore_mem>>)
    %dma_wait3A = arith.constant 0 : i32
    %dma_wait3A_4 = tpu.memref_slice %arg2[%dma_wait3A] : memref<1000000xf32, #tpu.memory_space<hbm>> -> memref<1000000xf32, #tpu.memory_space<hbm>>
    tpu.wait_indirect_dma semaphore(%arg7 : memref<!tpu.dma_semaphore, #tpu.memory_space<semaphore_mem>>) src(%dma_wait3A_4 : memref<1000000xf32, #tpu.memory_space<hbm>>) dst(%arg6 : memref<512xf32, #tpu.memory_space<vmem>>)
    %scan3A = arith.constant 0 : i32
    %scan3A_5 = arith.constant 0 : i32
    %scan3A_6 = arith.constant 8 : i32
    %scan3A_7 = arith.addi %scan3A_5, %scan3A_6 : i32
    %scan3A_8 = arith.constant 1 : i32
    scf.for %scan3A_10 = %scan3A_5 to %scan3A_7 step %scan3A_8  : i32 {
      %mul3A_11 = arith.constant 4 : i32
      %mul3A_12 = arith.muli %scan3A_10, %mul3A_11 : i32
      %add3A_13 = arith.constant 0 : i32
      %add3A_14 = arith.addi %mul3A_12, %add3A_13 : i32
      %mul3A_15 = arith.constant 16 : i32
      %mul3A_16 = arith.muli %add3A_14, %mul3A_15 : i32
      %get3A = arith.index_cast %mul3A_16 : i32 to index
      %get3A_17 = tpu.vector_load %arg6[%get3A] {strides = array<i32>} : memref<512xf32, #tpu.memory_space<vmem>>, vector<16xf32>,
      %get3A_18 = vector.shape_cast %get3A_17 : vector<16xf32> to vector<16xf32>
      %mul3A_19 = arith.constant 2.000000e+00 : f32
      %mul3A_20 = vector.broadcast %mul3A_19 : f32 to vector<16xf32>
      %mul3A_21 = arith.mulf %get3A_18, %mul3A_20 : vector<16xf32>
      %exp3A = math.exp %mul3A_21 : vector<16xf32>
      %add3A_22 = arith.constant 1.000000e+00 : f32
      %add3A_23 = vector.broadcast %add3A_22 : f32 to vector<16xf32>
      %add3A_24 = arith.addf %exp3A, %add3A_23 : vector<16xf32>
      %div3A = arith.constant 2.000000e+00 : f32
      %div3A_25 = vector.broadcast %div3A : f32 to vector<16xf32>
      %div3A_26 = arith.divf %div3A_25, %add3A_24 : vector<16xf32>
      %sub3A = arith.constant 1.000000e+00 : f32
      %sub3A_27 = vector.broadcast %sub3A : f32 to vector<16xf32>
      %sub3A_28 = arith.subf %sub3A_27, %div3A_26 : vector<16xf32>
      %swap3A = arith.index_cast %mul3A_16 : i32 to index
      %swap3A_29 = tpu.vector_load %arg6[%swap3A] {strides = array<i32>} : memref<512xf32, #tpu.memory_space<vmem>>, vector<16xf32>,
      %swap3A_30 = vector.shape_cast %swap3A_29 : vector<16xf32> to vector<16xf32>
      %swap3A_31 = vector.shape_cast %sub3A_28 : vector<16xf32> to vector<16xf32>
      tpu.vector_store %arg6[%swap3A], %swap3A_31 {strides = array<i32>} : memref<512xf32, #tpu.memory_space<vmem>>, vector<16xf32>,
      %mul3A_32 = arith.constant 4 : i32
      %mul3A_33 = arith.muli %scan3A_10, %mul3A_32 : i32
      %add3A_34 = arith.constant 1 : i32
      %add3A_35 = arith.addi %mul3A_33, %add3A_34 : i32
      %mul3A_36 = arith.constant 16 : i32
      %mul3A_37 = arith.muli %add3A_35, %mul3A_36 : i32
      %get3A_38 = arith.index_cast %mul3A_37 : i32 to index
      %get3A_39 = tpu.vector_load %arg6[%get3A_38] {strides = array<i32>} : memref<512xf32, #tpu.memory_space<vmem>>, vector<16xf32>,
      %get3A_40 = vector.shape_cast %get3A_39 : vector<16xf32> to vector<16xf32>
      %mul3A_41 = arith.constant 2.000000e+00 : f32
      %mul3A_42 = vector.broadcast %mul3A_41 : f32 to vector<16xf32>
      %mul3A_43 = arith.mulf %get3A_40, %mul3A_42 : vector<16xf32>
      %exp3A_44 = math.exp %mul3A_43 : vector<16xf32>
      %add3A_45 = arith.constant 1.000000e+00 : f32
      %add3A_46 = vector.broadcast %add3A_45 : f32 to vector<16xf32>
      %add3A_47 = arith.addf %exp3A_44, %add3A_46 : vector<16xf32>
      %div3A_48 = arith.constant 2.000000e+00 : f32
      %div3A_49 = vector.broadcast %div3A_48 : f32 to vector<16xf32>
      %div3A_50 = arith.divf %div3A_49, %add3A_47 : vector<16xf32>
      %sub3A_51 = arith.constant 1.000000e+00 : f32
      %sub3A_52 = vector.broadcast %sub3A_51 : f32 to vector<16xf32>
      %sub3A_53 = arith.subf %sub3A_52, %div3A_50 : vector<16xf32>
      %swap3A_54 = arith.index_cast %mul3A_37 : i32 to index
      %swap3A_55 = tpu.vector_load %arg6[%swap3A_54] {strides = array<i32>} : memref<512xf32, #tpu.memory_space<vmem>>, vector<16xf32>,
      %swap3A_56 = vector.shape_cast %swap3A_55 : vector<16xf32> to vector<16xf32>
      %swap3A_57 = vector.shape_cast %sub3A_53 : vector<16xf32> to vector<16xf32>
      tpu.vector_store %arg6[%swap3A_54], %swap3A_57 {strides = array<i32>} : memref<512xf32, #tpu.memory_space<vmem>>, vector<16xf32>,
      %mul3A_58 = arith.constant 4 : i32
      %mul3A_59 = arith.muli %scan3A_10, %mul3A_58 : i32
      %add3A_60 = arith.constant 2 : i32
      %add3A_61 = arith.addi %mul3A_59, %add3A_60 : i32
      %mul3A_62 = arith.constant 16 : i32
      %mul3A_63 = arith.muli %add3A_61, %mul3A_62 : i32
      %get3A_64 = arith.index_cast %mul3A_63 : i32 to index
      %get3A_65 = tpu.vector_load %arg6[%get3A_64] {strides = array<i32>} : memref<512xf32, #tpu.memory_space<vmem>>, vector<16xf32>,
      %get3A_66 = vector.shape_cast %get3A_65 : vector<16xf32> to vector<16xf32>
      %mul3A_67 = arith.constant 2.000000e+00 : f32
      %mul3A_68 = vector.broadcast %mul3A_67 : f32 to vector<16xf32>
      %mul3A_69 = arith.mulf %get3A_66, %mul3A_68 : vector<16xf32>
      %exp3A_70 = math.exp %mul3A_69 : vector<16xf32>
      %add3A_71 = arith.constant 1.000000e+00 : f32
      %add3A_72 = vector.broadcast %add3A_71 : f32 to vector<16xf32>
      %add3A_73 = arith.addf %exp3A_70, %add3A_72 : vector<16xf32>
      %div3A_74 = arith.constant 2.000000e+00 : f32
      %div3A_75 = vector.broadcast %div3A_74 : f32 to vector<16xf32>
      %div3A_76 = arith.divf %div3A_75, %add3A_73 : vector<16xf32>
      %sub3A_77 = arith.constant 1.000000e+00 : f32
      %sub3A_78 = vector.broadcast %sub3A_77 : f32 to vector<16xf32>
      %sub3A_79 = arith.subf %sub3A_78, %div3A_76 : vector<16xf32>
      %swap3A_80 = arith.index_cast %mul3A_63 : i32 to index
      %swap3A_81 = tpu.vector_load %arg6[%swap3A_80] {strides = array<i32>} : memref<512xf32, #tpu.memory_space<vmem>>, vector<16xf32>,
      %swap3A_82 = vector.shape_cast %swap3A_81 : vector<16xf32> to vector<16xf32>
      %swap3A_83 = vector.shape_cast %sub3A_79 : vector<16xf32> to vector<16xf32>
      tpu.vector_store %arg6[%swap3A_80], %swap3A_83 {strides = array<i32>} : memref<512xf32, #tpu.memory_space<vmem>>, vector<16xf32>,
      %mul3A_84 = arith.constant 4 : i32
      %mul3A_85 = arith.muli %scan3A_10, %mul3A_84 : i32
      %add3A_86 = arith.constant 3 : i32
      %add3A_87 = arith.addi %mul3A_85, %add3A_86 : i32
      %mul3A_88 = arith.constant 16 : i32
      %mul3A_89 = arith.muli %add3A_87, %mul3A_88 : i32
      %get3A_90 = arith.index_cast %mul3A_89 : i32 to index
      %get3A_91 = tpu.vector_load %arg6[%get3A_90] {strides = array<i32>} : memref<512xf32, #tpu.memory_space<vmem>>, vector<16xf32>,
      %get3A_92 = vector.shape_cast %get3A_91 : vector<16xf32> to vector<16xf32>
      %mul3A_93 = arith.constant 2.000000e+00 : f32
      %mul3A_94 = vector.broadcast %mul3A_93 : f32 to vector<16xf32>
      %mul3A_95 = arith.mulf %get3A_92, %mul3A_94 : vector<16xf32>
      %exp3A_96 = math.exp %mul3A_95 : vector<16xf32>
      %add3A_97 = arith.constant 1.000000e+00 : f32
      %add3A_98 = vector.broadcast %add3A_97 : f32 to vector<16xf32>
      %add3A_99 = arith.addf %exp3A_96, %add3A_98 : vector<16xf32>
      %div3A_100 = arith.constant 2.000000e+00 : f32
      %div3A_101 = vector.broadcast %div3A_100 : f32 to vector<16xf32>
      %div3A_102 = arith.divf %div3A_101, %add3A_99 : vector<16xf32>
      %sub3A_103 = arith.constant 1.000000e+00 : f32
      %sub3A_104 = vector.broadcast %sub3A_103 : f32 to vector<16xf32>
      %sub3A_105 = arith.subf %sub3A_104, %div3A_102 : vector<16xf32>
      %swap3A_106 = arith.index_cast %mul3A_89 : i32 to index
      %swap3A_107 = tpu.vector_load %arg6[%swap3A_106] {strides = array<i32>} : memref<512xf32, #tpu.memory_space<vmem>>, vector<16xf32>,
      %swap3A_108 = vector.shape_cast %swap3A_107 : vector<16xf32> to vector<16xf32>
      %swap3A_109 = vector.shape_cast %sub3A_105 : vector<16xf32> to vector<16xf32>
      tpu.vector_store %arg6[%swap3A_106], %swap3A_109 {strides = array<i32>} : memref<512xf32, #tpu.memory_space<vmem>>, vector<16xf32>,
    }
    %scan3A_9 = arith.constant 8 : i32
    "tpu.region"() ({
      %run_scoped3A = tpu.sem_alloc : memref<!tpu.dma_semaphore, #tpu.memory_space<semaphore_mem>>
      %dma_start3A_10 = tpu.memref_slice %arg4[%mul3A_2] : memref<16384xf32, #tpu.memory_space<hbm>> -> memref<512xf32, #tpu.memory_space<hbm>>
      %dma_start3A_11 = tpu.memref_slice %arg4[%mul3A_2] : memref<16384xf32, #tpu.memory_space<hbm>> -> memref<512xf32, #tpu.memory_space<hbm>>
      tpu.enqueue_dma source(%arg6 : memref<512xf32, #tpu.memory_space<vmem>>) target(%dma_start3A_11 : memref<512xf32, #tpu.memory_space<hbm>>) target_semaphore(%run_scoped3A : memref<!tpu.dma_semaphore, #tpu.memory_space<semaphore_mem>>)
      %dma_wait3A_12 = tpu.memref_slice %arg4[%mul3A_2] : memref<16384xf32, #tpu.memory_space<hbm>> -> memref<512xf32, #tpu.memory_space<hbm>>
      %dma_wait3A_13 = tpu.memref_slice %arg4[%mul3A_2] : memref<16384xf32, #tpu.memory_space<hbm>> -> memref<512xf32, #tpu.memory_space<hbm>>
      tpu.wait_dma2 semaphore(%run_scoped3A : memref<!tpu.dma_semaphore, #tpu.memory_space<semaphore_mem>>) src(%arg6 : memref<512xf32, #tpu.memory_space<vmem>>) dst(%dma_wait3A_13 : memref<512xf32, #tpu.memory_space<hbm>>)
      tpu.yield
    }) : () -> ()
    return
  }
}

</mosaic_0001>

<sc_bundles>
// kernel: kernel.3.cloned.1.call-start
scs
__scs_entry_jumppad:
0x0: {  	(pc) =	sbr.rel $0x88, $3  }
0x1: {  	(tag) =	ssettag $0x0;
	lr =	simm.s32 $0x1  }
0x2: {  	[smem:$0x3F9F] =	sst lr;
	_ =	strace $0xD0000000  }
0x3: {  	_ = 	snop  }
0x4: {  	_ = 	snop  }
0x5: {  	_ = 	snop  }
0x6: {  	_ = 	snop  }
0x7: {  	_ = 	snop  }
__scs_overlays_trampoline_lowered:
0x8: {  	[smem:$0x3FAE] =	sst s0  }
0x9: {  	[smem:$0x3FAF] =	sst s1  }
0xa: {  	[smem:$0x3FB0] =	sst s2  }
0xb: {  	[smem:$0x3FB1] =	sst s3  }
0xc: {  	[smem:$0x3FB2] =	sst s4  }
0xd: {  	[smem:$0x3FB3] =	sst s5  }
0xe: {  	[smem:$0x3FB4] =	sst s6  }
0xf: {  	[smem:$0x3FB5] =	sst s7  }
0x10: {  	[smem:$0x3FB6] =	sst s8  }
0x11: {  	[smem:$0x3FB7] =	sst s9;
	s0 =	simm.s32 @!p0 $0x0  }
0x12: {  	s1 =	sld [smem:$0x3F9D];
	s0 =	simm.s32 @p0 $0x1  }
0x13: {  	[smem:$0x3FB8] =	sst s0;
	s0 =	simm.s32 @!p1 $0x0  }
0x14: {  	s2 =	sld [smem:$0x3F9C];
	s0 =	simm.s32 @p1 $0x1  }
0x15: {  	[smem:$0x3FB9] =	sst s0;
	s0 =	simm.s32 @!p2 $0x0  }
0x16: {  	s3 =	sld [smem:$0x3FDB];
	s0 =	simm.s32 @p2 $0x1  }
0x17: {  	s4 =	simm.s32 $0x1BF5;
	[smem:$0x3FBB] =	sst s0  }
0x18: {  	s0 =	sld [smem:$0x3F9E];
	_ =	swait.ge [sflag:s4], $0x0  }
0x19: {  	s7 =	sld [smem:$0x3F9F]  }
0x1a: {  	s8 =	sadd.s32 $0xFFFFE003, lr  }
0x1b: {  	s9 =	sadd.s32 $0xFFFFFEF7, lr;
	s5 =	simm.s32 $0xFFFFFFFF;
	p2 =	slt.u32 s8, $0xFFFFF086  }
0x1c: {  	p1 =	slt.u32 s9, $0xF7A;
	s5 =	simm.s32 @!p2 $0x0  }
0x1d: {  	s5 =	simm.s32 @p1 $0x1;
	p0 =	seq.s32 s7, s2  }
0x1e: {  	s7 =	smul.u32 @!p0 $0xF7A, s2;
	p2 =	seq.s32 @!p0 s5, $0x0  }
0x1f: {  	s9 =	smul.u32 $0xF7A, s1;
	s8 =	simm.s32 @!p0 $0x1BF5;
	p2 =	por !p2, p0  }
0x20: {  	[sflag:s8] =	ssyncset.s32 @!p0 $0xFFFFF086;
	s6 =	sadd.s32 @!p0 s3, s7;
	s7 =	simm.s32 @!p0 $0x108  }
0x21: {  	s3 =	sadd.s32 s3, s9;
	s6 =	sadd.s32 @!p0 $0x88, s6;
	s7 =	simm.s32 @p2 $0x1082  }
0x22: {  	[simem:s7], [sflag:s8] =	dma.local @!p0 [hbm:s6], $0xF7A  }
0x23: {  	s9 =	sor.u32 $0xD0000000, s2;
	s6 =	simm.s32 $0x108;
	_ =	swait.ge @!p0 [sflag:s8], $0x0  }
0x24: {  	s3 =	sadd.s32 $0x88, s3;
	s6 =	simm.s32 @!p1 $0x1082;
	[sflag:s4] =	ssyncset.s32 $0xFFFFF086  }
0x25: {  	[simem:s6], [sflag:s4] =	dma.local [hbm:s3], $0xF7A  }
0x26: {  	[smem:$0x3F9F] =	sst s1;
	(tag) =	ssettag s2;
	_ =	strace s9  }
0x27: {  	s1 =	sld [smem:$0x3FAF]  }
0x28: {  	s2 =	sld [smem:$0x3FB0]  }
0x29: {  	s4 =	sld [smem:$0x3FB2]  }
0x2a: {  	p0 =	seq.s32 s5, $0x0;
	s5 =	sld [smem:$0x3FB3]  }
0x2b: {  	s6 =	sld [smem:$0x3FB4]  }
0x2c: {  	s7 =	sld [smem:$0x3FB5]  }
0x2d: {  	s3 =	simm.s32 $0x108;
	s8 =	sld [smem:$0x3FB6]  }
0x2e: {  	s3 =	simm.s32 @!p0 $0x1082;
	s9 =	sld [smem:$0x3FB7]  }
0x2f: {  	lr =	sadd.s32 s0, s3;
	s0 =	sld [smem:$0x3FAE]  }
0x30: {  	s3 =	sld [smem:$0x3FB1]  }
0x31: {  	[smem:$0x3FBA] =	sst s10  }
0x32: {  	s10 =	sld [smem:$0x3FB8];
	_ =	sdelay $0x3  }
0x33: {  	p0 =	seq.s32 s10, $0x1;
	s10 =	sld [smem:$0x3FBA];
	_ =	sdelay $0x3  }
0x34: {  	[smem:$0x3FBA] =	sst s10  }
0x35: {  	s10 =	sld [smem:$0x3FB9];
	_ =	sdelay $0x3  }
0x36: {  	p1 =	seq.s32 s10, $0x1;
	s10 =	sld [smem:$0x3FBA];
	_ =	sdelay $0x3  }
0x37: {  	[smem:$0x3FBA] =	sst s10  }
0x38: {  	s10 =	sld [smem:$0x3FBB]  }
0x39: {  	_ = 	snop;
	(pc) =	sbr.ind lr, $3  }
0x3a: {  	_ = 	snop  }
0x3b: {  	_ = 	snop  }
0x3c: {  	p2 =	seq.s32 s10, $0x1;
	s10 =	sld [smem:$0x3FBA]  }
0x3d: {  	_ =	shalt  }
0x3e: {  	_ =	shalt  }
0x3f: {  	_ =	shalt  }
0x40: {  	_ =	shalt  }
0x41: {  	_ =	shalt  }
0x42: {  	_ =	shalt  }
0x43: {  	_ =	shalt  }
0x44: {  	_ =	shalt  }
0x45: {  	_ =	shalt  }
0x46: {  	_ =	shalt  }
0x47: {  	_ =	shalt  }
0x48: {  	_ =	shalt  }
0x49: {  	_ =	shalt  }
0x4a: {  	_ =	shalt  }
0x4b: {  	_ =	shalt  }
0x4c: {  	_ =	shalt  }
0x4d: {  	_ =	shalt  }
0x4e: {  	_ =	shalt  }
0x4f: {  	_ =	shalt  }
0x50: {  	_ =	shalt  }
0x51: {  	_ =	shalt  }
0x52: {  	_ =	shalt  }
0x53: {  	_ =	shalt  }
0x54: {  	_ =	shalt  }
0x55: {  	_ =	shalt  }
0x56: {  	_ =	shalt  }
0x57: {  	_ =	shalt  }
0x58: {  	_ =	shalt  }
0x59: {  	_ =	shalt  }
0x5a: {  	_ =	shalt  }
0x5b: {  	_ =	shalt  }
0x5c: {  	_ =	shalt  }
0x5d: {  	_ =	shalt  }
0x5e: {  	_ =	shalt  }
0x5f: {  	_ =	shalt  }
0x60: {  	_ =	shalt  }
0x61: {  	_ =	shalt  }
0x62: {  	_ =	shalt  }
0x63: {  	_ =	shalt  }
0x64: {  	_ =	shalt  }
0x65: {  	_ =	shalt  }
0x66: {  	_ =	shalt  }
0x67: {  	_ =	shalt  }
0x68: {  	_ =	shalt  }
0x69: {  	_ =	shalt  }
0x6a: {  	_ =	shalt  }
0x6b: {  	_ =	shalt  }
0x6c: {  	_ =	shalt  }
0x6d: {  	_ =	shalt  }
0x6e: {  	_ =	shalt  }
0x6f: {  	_ =	shalt  }
0x70: {  	_ =	shalt  }
0x71: {  	_ =	shalt  }
0x72: {  	_ =	shalt  }
0x73: {  	_ =	shalt  }
0x74: {  	_ =	shalt  }
0x75: {  	_ =	shalt  }
0x76: {  	_ =	shalt  }
0x77: {  	_ =	shalt  }
0x78: {  	_ =	shalt  }
0x79: {  	_ =	shalt  }
0x7a: {  	_ =	shalt  }
0x7b: {  	_ =	shalt  }
0x7c: {  	_ =	shalt  }
0x7d: {  	_ =	shalt  }
0x7e: {  	_ =	shalt  }
0x7f: {  	_ =	shalt  }
0x80: {  	_ =	shalt  }
0x81: {  	_ =	shalt  }
0x82: {  	_ =	shalt  }
0x83: {  	_ =	shalt  }
0x84: {  	_ =	shalt  }
0x85: {  	_ =	shalt  }
0x86: {  	_ =	shalt  }
0x87: {  	_ =	shalt  }
.Lfunc_end0:
.L_simem_size_0:
called_computation_lowered:
.L_overlay_start_0:
0x88: {  	s2 =	sld [smem:$0x3FD9]  }
0x89: {  	s3 =	sld [smem:$0x3FFE];
	_ =	sdelay $0x1  }
0x8a: {  	s1 =	srdreg.scid  }
0x8b: {  	s0 =	sand.u32 $0x1, s1  }
0x8c: {  	s18 =	sshll.u32 s0, $0xA;
	s2 =	sadd.s32 s3, s2  }
0x8d: {  	s2 =	sadd.s32 s2, s18  }
0x8e: {  	[smem:$0x3FC6] =	sst s2  }
0x8f: {  	_ = 	snop  }
0x90: {  	s2 =	sld [smem:$0x3FC9]  }
0x91: {  	s19 =	sld [smem:$0x3FC8]  }
0x92: {  	s4 =	sld [smem:$0x3FD0];
	(tm) =	ssettm $0x1  }
0x93: {  	s5 =	sld [smem:$0x3FFB];
	_ =	sdelay $0x3  }
0x94: {  	_ =	strace s5  }
0x95: {  	s5 =	sld [smem:$0x3FFC];
	_ =	sdelay $0x3  }
0x96: {  	_ =	strace s5  }
0x97: {  	s5 =	sld [smem:$0x3FFD];
	_ =	sdelay $0x3  }
0x98: {  	_ =	strace s5  }
0x99: {  	_ =	strace $0x8FFFFFFF  }
0x9a: {  	s20 =	sld [smem:$0x3FDB];
	_ =	sdelay $0x1  }
0x9b: {  	s6 =	simm.s32 $_scs_section_size  }
0x9c: {  	s7 =	simm.s32 $_size__tile_overlayer_lowered;
	s8 =	simm.s32 $_tile_overlayer_lowered  }
0x9d: {  	s23 =	simm.s32 $0x1BFF;
	s22 =	sshll.u32 s8, $0x1;
	s5 =	sadd.s32 s6, s20  }
0x9e: {  	s9 =	simm.s32 $0x0;
	s21 =	sshll.u32 s7, $0x1;
	s7 =	sadd.s32 s22, s5  }
0x9f: {  	[timem:s9], [sflag:s23] =	dma.local [hbm:s7], s21  }
0xa0: {  	_ =	swait.ge [sflag:s23], s21  }
0xa1: {  	s6 =	ssub.s32 $0x0, s21;
	[sflag:s23] =	ssyncset.done $0x0  }
0xa2: {  	[sflag:s23] =	ssyncadd.s32 s6;
	_ =	sdelay $0x1  }
0xa3: {  	s24 =	simm.s32 $0x1B8B  }
0xa4: {  	_ =	swait.ge [sflag:s24], $0x1  }
0xa5: {  	[sflag:s24] =	ssyncset.done $0x0  }
0xa6: {  	s25 =	simm.s32 $0x1B8E;
	[sflag:s24] =	ssyncadd.s32 $0xFFFFFFFF  }
0xa7: {  	s26 =	simm.s32 $execute0_lowered;
	[smem:$0x3FD2] =	sst s25  }
0xa8: {  	s6 =	sshll.u32 s26, $0x1;
	_ =	strace $0x80000046;
	[dreg:$0x1] =	wrdreg $0xFFFFFFFF  }
0xa9: {  	s28 =	simm.s32 $_size_execute0_lowered;
	s5 =	sadd.s32 s5, s6;
	[dreg:$0x0] =	wrdreg $0x0  }
0xaa: {  	s6 =	sshll.u32 s28, $0x1;
	[dreg:$0x2] =	wrdreg s5  }
0xab: {  	[dreg:$0x3] =	wrdreg s6  }
0xac: {  	[dreg:$0x4] =	wrdreg $0xC0  }
0xad: {  	_ =	task [dreg:s9], $0x5FFFF  }
0xae: {  	[dreg:$0x1] =	wrdreg $0xFFFFFFFF  }
0xaf: {  	[dreg:$0x0] =	wrdreg $0x60  }
0xb0: {  	[dreg:$0x2] =	wrdreg s19  }
0xb1: {  	[dreg:$0x3] =	wrdreg s2  }
0xb2: {  	[dreg:$0x4] =	wrdreg s4  }
0xb3: {  	[dreg:$0x5] =	wrdreg $0x9  }
0xb4: {  	_ =	task.clear_ibuf [dreg:s9], $0x6FFFF;
	_ =	strace $0x90000046  }
0xb5: {  	s29 =	simm.s32 $0x9;
	_ =	strace $0x80000048  }
0xb6: {  	_ =	swait.ge [sflag:s29], $0x1  }
0xb7: {  	[sflag:s29] =	ssyncadd.s32 $0xFFFFFFFF  }
0xb8: {  	_ =	strace $0x90000048  }
0xb9: {  	_ =	sfence  }
0xba: {  	s30 =	sld [smem:$0x0];
	_ =	sdelay $0x2  }
0xbb: {  	s31 =	sshll.u32 s1, $0xD;
	s1 =	sshrl.u32 s1, $0x2  }
0xbc: {  	s3 =	sand.u32 $0x4000, s31;
	s1 =	sadd.s32 s1, s30  }
0xbd: {  	s0 =	sor.u32 s3, s0;
	s1 =	sshll.u32 s1, $0x11  }
0xbe: {  	s0 =	sor.u32 s1, s0  }
0xbf: {  	s0 =	sadd.s32 $0x8F2B, s0  }
0xc0: {  	[sflag:s0] =	ssyncadd.remote.s32 $0x1  }
0xc1: {  	_ =	sfence.sel $0xFFFF  }
0xc2: {  	[dreg:$0x0] =	wrdreg $0xFFFFFFFF;
	(pc) =	sbr.abs _section_cstart, $3  }
0xc3: {  	[dreg:$0x1] =	wrdreg $0xFFFFFFFF  }
0xc4: {  	_ =	task.clear_ibuf [dreg:s9], $0x2FFFF;
	_ =	strace $0x9FFFFFFF  }
0xc5: {  	(tm) =	ssettm $0x7FFFFFFF  }
tec
execute0_lowered:
.L_overlay_start_1:
0x0: {  	(tag) =	ssettag $0x1  }
0x1: {  	s1 =	rddreg [dreg:$0x0]  }
0x2: {  	s4 =	rddreg [dreg:$0x1]  }
0x3: {  	s5 =	rddreg [dreg:$0x2]  }
0x4: {  	s0 =	rddreg [dreg:$0x3];
	s6 =	srdreg.scid  }
0x5: {  	s3 =	simm.s32 $0x0;
	s2 =	stileid.u32;
	s10 =	simm.s32 $0x0  }
0x6: {  	s6 =	sand.u32 $0x1, s6;
	s8 =	sshll.u32 s2, $0x7;
	[smem:$0x7FF] =	sst s3  }
0x7: {  	s7 =	ssub.s32 $0x2, s6;
	s6 =	sshll.u32 s6, $0x6;
	_ =	strace $0x80000047  }
0x8: {  	s9 =	sshrl.u32 s7, $0x1;
	s6 =	sor.u32 s6, s8;
	s8 =	simm.s32 $0x200  }
0x9: {  	s7 =	ssub.s32 s7, s9;
	s4 =	sadd.s32 s4, s6;
	s5 =	sadd.s32 s5, s6  }
0xa: {  	s9 =	simm.s32 $0x1;
	s6 =	smax.u32 s7, $0x1;
	s7 =	simm.s32 $0x2  }
.LBB2_1:
0xb: {  	[tilespmem:s3], [sflag:$0x2] =	stream.linear.gather [hbm4b:s4+s3], $0x200, $0x38;
	[tilespmem:$0x400] =	vst v63  }
0xc: {  	_ =	swait.ge [sflag:s7], $0x200  }
0xd: {  	[sflag:s7] =	ssyncset.done $0x0  }
0xe: {  	[sflag:s7] =	ssyncadd.s32 $0xFFFFFE00  }
0xf: {  	[tilespmem:s8], [sflag:$0x1] =	stream.indirect.gather [hbm4b:s1+s8], $0x1, s3, s8, $0xb8;
	[tilespmem:$0x400] =	vst v63  }
0x10: {  	_ =	swait.ge [sflag:s9], $0x200  }
0x11: {  	[sflag:s9] =	ssyncset.done $0x0  }
0x12: {  	s11 =	simm.s32 $0x0;
	[sflag:s9] =	ssyncadd.s32 $0xFFFFFE00  }
0x13: {  	v0 =	vld [tilespmem:s11+$0x200]  }
0x14: {  	v2 =	vld [tilespmem:s11+$0x210]  }
0x15: {  	s12 =	simm.s32 $0x100;
	v1 =	vld [tilespmem:s11+$0x220]  }
.LBB2_2:
0x16: {  	p0 =	sne.s32 s12, $0x700;
	v3 =	vld [tilespmem:s11+$0x230];
	_ =	sdelay $0x1  }
0x17: {  	v0 =	vadd.f32 v0, v0  }
0x18: {  	v2 =	vadd.f32 v2, v2  }
0x19: {  	v0 =	vmul.f32 $1.442695020e+00, v0;
	v1 =	vadd.f32 v1, v1  }
0x1a: {  	v2 =	vmul.f32 $1.442695020e+00, v2;
	v3 =	vadd.f32 v3, v3  }
0x1b: {  	v1 =	vmul.f32 $1.442695020e+00, v1;
	(erf) = vpow2.f32 v0  }
0x1c: {  	v0 =	vmul.f32 $1.442695020e+00, v3;
	(erf) = vpow2.f32 v2  }
0x1d: {  	(erf) = vpow2.f32 v1  }
0x1e: {  	(erf) = vpow2.f32 v0;
	_ =	sdelay $0x5  }
0x1f: {  	v0 =	vpop (erf)  }
0x20: {  	v3 =	vadd.f32 $1.000000000e+00, v0;
	v1 =	vpop (erf)  }
0x21: {  	v1 =	vadd.f32 $1.000000000e+00, v1;
	v2 =	vpop (erf)  }
0x22: {  	v2 =	vadd.f32 $1.000000000e+00, v2;
	(erf) = vrcp.f32 v3;
	v0 =	vpop (erf)  }
0x23: {  	v0 =	vadd.f32 $1.000000000e+00, v0;
	(erf) = vrcp.f32 v1  }
0x24: {  	(erf) = vrcp.f32 v2  }
0x25: {  	(erf) = vrcp.f32 v0;
	_ =	sdelay $0x5  }
0x26: {  	v0 =	vpop (erf)  }
0x27: {  	v0 =	vadd.f32 v0, v0;
	v1 =	vpop (erf)  }
0x28: {  	v1 =	vadd.f32 v1, v1;
	v2 =	vpop (erf)  }
0x29: {  	v0 =	vsub.f32 $1.000000000e+00, v0;
	v2 =	vadd.f32 v2, v2;
	v3 =	vpop (erf)  }
.Ltmp0:
0x2a: {  	v1 =	vsub.f32 $1.000000000e+00, v1;
	v3 =	vadd.f32 v3, v3;
	(pc) =	sbr.rel @p0 .LBB2_2-.Ltmp0, $4  }
0x2b: {  	s13 =	sshra.s32 s12, $0x2;
	[tilespmem:s11+$0x200] =	vst v0;
	v4 =	vsub.f32 $1.000000000e+00, v2  }
0x2c: {  	v0 =	vld [tilespmem:s13+$0x200];
	[tilespmem:s11+$0x210] =	vst v1;
	v3 =	vsub.f32 $1.000000000e+00, v3  }
0x2d: {  	v2 =	vld [tilespmem:s13+$0x210];
	[tilespmem:s11+$0x220] =	vst v4  }
0x2e: {  	s12 =	sadd.s32 $0x100, s12;
	v1 =	vld [tilespmem:s13+$0x220];
	[tilespmem:s11+$0x230] =	vst v3;
	s11 =	smov.u32 s13  }
0x2f: {  	v3 =	vld [tilespmem:s11+$0x230];
	_ =	sdelay $0x1  }
0x30: {  	v0 =	vadd.f32 v0, v0  }
0x31: {  	v2 =	vadd.f32 v2, v2  }
0x32: {  	v0 =	vmul.f32 $1.442695020e+00, v0;
	v1 =	vadd.f32 v1, v1  }
0x33: {  	v2 =	vmul.f32 $1.442695020e+00, v2;
	v3 =	vadd.f32 v3, v3  }
0x34: {  	v1 =	vmul.f32 $1.442695020e+00, v1;
	(erf) = vpow2.f32 v0  }
0x35: {  	v55 =	vmul.f32 $1.442695020e+00, v3;
	(erf) = vpow2.f32 v2  }
0x36: {  	(erf) = vpow2.f32 v1  }
0x37: {  	(erf) = vpow2.f32 v55;
	_ =	sdelay $0x5  }
0x38: {  	v56 =	vpop (erf)  }
0x39: {  	v0 =	vadd.f32 $1.000000000e+00, v56;
	v57 =	vpop (erf)  }
0x3a: {  	v1 =	vadd.f32 $1.000000000e+00, v57;
	v58 =	vpop (erf)  }
0x3b: {  	v2 =	vadd.f32 $1.000000000e+00, v58;
	(erf) = vrcp.f32 v0;
	v59 =	vpop (erf)  }
0x3c: {  	v0 =	vadd.f32 $1.000000000e+00, v59;
	(erf) = vrcp.f32 v1  }
0x3d: {  	(erf) = vrcp.f32 v2  }
0x3e: {  	(erf) = vrcp.f32 v0;
	_ =	sdelay $0x5  }
0x3f: {  	v60 =	vpop (erf)  }
0x40: {  	v0 =	vadd.f32 v60, v60;
	v1 =	vpop (erf)  }
0x41: {  	v1 =	vadd.f32 v1, v1;
	v2 =	vpop (erf)  }
0x42: {  	v0 =	vsub.f32 $1.000000000e+00, v0;
	v2 =	vadd.f32 v2, v2;
	v61 =	vpop (erf)  }
0x43: {  	v1 =	vsub.f32 $1.000000000e+00, v1;
	v3 =	vadd.f32 v61, v61  }
0x44: {  	[tilespmem:s11+$0x200] =	vst v0;
	v62 =	vsub.f32 $1.000000000e+00, v2  }
0x45: {  	s10 =	sadd.s32 $0x1, s10;
	[tilespmem:s11+$0x210] =	vst v1;
	v63 =	vsub.f32 $1.000000000e+00, v3  }
0x46: {  	p0 =	sne.s32 s10, s6;
	[tilespmem:s11+$0x220] =	vst v62  }
.Ltmp1:
0x47: {  	[tilespmem:s11+$0x230] =	vst v63;
	(pc) =	sbr.rel @p0 .LBB2_1-.Ltmp1, $4  }
0x48: {  	[hbm4b:s5+s3] =	stream.linear.scatter [tilespmem:s8], [sflag:$0x2], $0x200, $0x38;
	[tilespmem:$0x400] =	vst v63  }
0x49: {  	_ =	swait.ge [sflag:s7], $0x200  }
0x4a: {  	[sflag:s7] =	ssyncset.done $0x0  }
0x4b: {  	[sflag:s7] =	ssyncadd.s32 $0xFFFFFE00  }
0x4c: {  	_ =	sfence.sel $0x180000  }
0x4d: {  	[bflag:$0x0] =	sbarrier.arrive $0xFFFF  }
0x4e: {  	p0 =	sne.s32 s2, $0x0;
	_ =	strace $0x90000047  }
0x4f: {  	s0 =	sadd.s32 @!p0 $0x100000, s0;
	[bflag:$0x2] =	sbarrier.arrive $0xFFFF  }
0x50: {  	[sflag:s0] =	ssyncadd.tile.s32 @!p0 $0x1;
	_ =	shalt  }
.Lfunc_end2:
_tile_overlayer_lowered:
.L_overlay_start_2:
0x51: {  	(tag) =	ssettag $0x2  }
0x52: {  	s0 =	rddreg [dreg:$0x0];
	s2 =	stileid.u32  }
0x53: {  	s1 =	rddreg [dreg:$0x1];
	p0 =	sne.s32 s2, $0x0  }
0x54: {  	s3 =	rddreg [dreg:$0x2];
	[bflag:$0x3] =	sbarrier.arrive $0xFFFF;
	s2 =	simm.s32 @!p0 $0x1C02  }
0x55: {  	[timem:s3], [sflag:s2] =	dma.local @!p0 [hbm:s0], s1  }
0x56: {  	s0 =	simm.s32 @!p0 $0x2  }
0x57: {  	_ =	swait.ge @!p0 [sflag:s0], s1  }
0x58: {  	s1 =	ssub.s32 @!p0 $0x0, s1;
	[sflag:s0] =	ssyncset.done @!p0 $0x0  }
0x59: {  	[sflag:s0] =	ssyncadd.s32 @!p0 s1  }
0x5a: {  	[bflag:$0x3] =	sbarrier.arrive $0xFFFF  }
0x5b: {  	_ =	shalt  }

</sc_bundles>
